<compile_context>
chip_gen: v7x
topology: tpu7x:2x2x1
jax: 0.10.2.dev20260603
libtpu: 0.0.44.dev20260713+nightly
codegen_flags: <defaults>
</compile_context>

<pallas_src>
import functools

import jax
import jax.numpy as jnp
from jax import lax
from jax.experimental import pallas as pl
from jax.experimental.pallas import tpu as pltpu
from jax.experimental.pallas import tpu_sc as plsc

EMB = 32
_NW = 32
_CHUNK = 128
_BLK = 2048
_SUB = _BLK // 4


_PS = 4096


def _pack_body(tt_ref, o_ref):
    x = tt_ref[...]
    parts = []
    for k in range(4):
        xk = x[:, _PS * k:_PS * (k + 1)]
        parts.append(jnp.transpose(xk, (1, 0)))
    o_ref[...] = jnp.concatenate(parts, axis=1)


def _pack_table(node_emb):
    v = node_emb.shape[0]
    nblk = (v + 4 * _PS - 1) // (4 * _PS)
    tt = node_emb.T
    return pl.pallas_call(
        _pack_body,
        grid=(nblk,),
        in_specs=[pl.BlockSpec((EMB, 4 * _PS), lambda i: (0, i))],
        out_specs=pl.BlockSpec((_PS, 4 * EMB), lambda i: (i, 0)),
        out_shape=jax.ShapeDtypeStruct((nblk * _PS, 4 * EMB), jnp.float32),
    )(tt)


def _sc_gather(idx3d, table, total_rows, nch):
    mesh = plsc.VectorSubcoreMesh(core_axis_name="c", subcore_axis_name="s")

    @functools.partial(
        pl.kernel,
        out_type=jax.ShapeDtypeStruct((total_rows, EMB), jnp.float32),
        mesh=mesh,
        scratch_types=[
            pltpu.VMEM((nch, _CHUNK), jnp.int32),
            pltpu.VMEM((2, _CHUNK, EMB), jnp.float32),
            pltpu.SemaphoreType.DMA,
        ],
        compiler_params=pltpu.CompilerParams(use_tc_tiling_on_sc=False),
    )
    def gather_kernel(idx_hbm, table_hbm, out_hbm, idx_v, rows_v, gsem):
        wid = lax.axis_index("s") * 2 + lax.axis_index("c")
        pltpu.sync_copy(idx_hbm.at[wid], idx_v)
        base = wid * (nch * _CHUNK)

        pltpu.async_copy(table_hbm.at[idx_v.at[0]], rows_v.at[0], gsem)

        def body(j, carry):
            buf = rows_v.at[j % 2]
            pltpu.make_async_copy(table_hbm.at[idx_v.at[j]], buf, gsem).wait()

            @pl.when(j + 1 < nch)
            def _():
                pltpu.async_copy(
                    table_hbm.at[idx_v.at[j + 1]], rows_v.at[(j + 1) % 2], gsem
                )

            row = pl.multiple_of(base + j * _CHUNK, _CHUNK)
            pltpu.sync_copy(buf, out_hbm.at[pl.ds(row, _CHUNK)])
            return carry

        lax.fori_loop(0, nch, body, 0)

    return gather_kernel(idx3d, table)


def _loss_body(e_true, r_ref, h_ref, t_ref, w_ref, re_ref, o_ref):
    i = pl.program_id(0)
    nb = pl.num_programs(0)
    dp = h_ref[...] - t_ref[...]
    s = jnp.zeros((), jnp.float32)
    for k in range(4):
        d = dp[:, 32 * k:32 * (k + 1)]
        r = r_ref[:, k:k + 1]
        rowid = i * _BLK + 4 * lax.broadcasted_iota(jnp.int32, (_SUB, 1), 0) + k
        valid = rowid < e_true
        g = r >> 1

        cols = lax.broadcasted_iota(jnp.int32, (_SUB, 32 * EMB), 1)
        d_tiled = jnp.concatenate([d] * 32, axis=1)
        z = jnp.where(((cols >> 5) == g) & valid, d_tiled, 0.0)
        v = lax.dot_general(z, w_ref[...], (((1,), (0,)), ((), ())),
                            preferred_element_type=jnp.float32)

        rcols = lax.broadcasted_iota(jnp.int32, (_SUB, 64), 1)
        oh = jnp.where((rcols == r) & valid, 1.0, 0.0)
        r_e = lax.dot_general(oh, re_ref[...], (((1,), (0,)), ((), ())),
                              preferred_element_type=jnp.float32)

        u = v + r_e
        s = s + jnp.sum(u * u)

    @pl.when(i == 0)
    def _():
        o_ref[...] = jnp.zeros((1, 1), jnp.float32)

    o_ref[...] += jnp.reshape(s, (1, 1))

    @pl.when(i == nb - 1)
    def _():
        o_ref[...] = o_ref[...] * (1.0 / (e_true * EMB))


def kernel(edge_index, edge_attr, node_emb, r_emb, r_proj):
    e_true = edge_index.shape[1]
    e_pad = ((e_true + 2047) // 2048) * 2048
    nch = (2 * e_pad) // (_NW * _CHUNK)
    nb = e_pad // _BLK

    packed = _pack_table(node_emb)
    npk = packed.shape[0]
    table2 = packed.reshape(4 * npk, EMB)

    ei = edge_index.astype(jnp.int32)
    perm = 4 * ((ei // (4 * _PS)) * _PS + ei % _PS) + (ei % (4 * _PS)) // _PS

    heads = jnp.pad(perm[0], (0, e_pad - e_true))
    tails = jnp.pad(perm[1], (0, e_pad - e_true))
    all_idx = jnp.concatenate([heads, tails]).reshape(_NW, nch, _CHUNK)

    gath = _sc_gather(all_idx, table2, 2 * e_pad, nch)
    gath4 = gath.reshape(e_pad // 2, 4 * EMB)

    r_pad = jnp.pad(edge_attr[:, 0].astype(jnp.int32), (0, e_pad - e_true))
    r2 = r_pad.reshape(e_pad // 4, 4)

    w = r_proj.reshape(EMB * EMB, EMB)

    nrow = _BLK // 4
    loss = pl.pallas_call(
        functools.partial(_loss_body, e_true),
        grid=(nb,),
        in_specs=[
            pl.BlockSpec((nrow, 4), lambda i: (i, 0)),
            pl.BlockSpec((nrow, 4 * EMB), lambda i: (i, 0)),
            pl.BlockSpec((nrow, 4 * EMB), lambda i: (i + nb, 0)),
            pl.BlockSpec((EMB * EMB, EMB), lambda i: (0, 0)),
            pl.BlockSpec((64, EMB), lambda i: (0, 0)),
        ],
        out_specs=pl.BlockSpec((1, 1), lambda i: (0, 0)),
        out_shape=jax.ShapeDtypeStruct((1, 1), jnp.float32),
    )(r2, gath4, gath4, w, r_emb)

    return jnp.reshape(loss, ())

# --- scband reference (transcript-rebuilt; emitter-appended) ---
"""Pipeline reference for scband-kgnet-1262720385076 (READ-ONLY COPY).

The authoritative reference and input builder live on the scoring server;
editing this copy changes nothing except your own understanding.
"""

import jax, jax.numpy as jnp
import numpy as np

EMB_DIM = 32
NUM_NODES = 1000000
NUM_RELATIONS = 64
E = 100000


def setup_inputs(seed: int = 0) -> dict:
    key = jax.random.key(seed)
    k1, k2, k3, k4, k5 = jax.random.split(key, 5)
    edge_index = jax.random.randint(k1, (2, E), 0, NUM_NODES)
    edge_attr = jax.random.randint(k2, (E, 1), 0, NUM_RELATIONS)
    node_emb = jax.random.normal(k3, (NUM_NODES, EMB_DIM), dtype=jnp.float32) * 0.1
    r_emb = jax.random.normal(k4, (NUM_RELATIONS, EMB_DIM), dtype=jnp.float32) * 0.1
    r_proj = jax.random.normal(k5, (NUM_RELATIONS // 2, EMB_DIM * EMB_DIM), dtype=jnp.float32) * 0.1
    return {"edge_index": edge_index, "edge_attr": edge_attr, "node_emb": node_emb, "r_emb": r_emb, "r_proj": r_proj}


def reference(edge_index, edge_attr, node_emb, r_emb, r_proj):
    # KGNet.get_kg_loss with pretrain='trans_r'
    emb_dim = node_emb.shape[1]
    r_idx = edge_attr[:, 0]
    r_e = jnp.take(r_emb, r_idx, axis=0)  # [E, D] relation embedding gather

    def trans_r_project(nodes):
        # nodes: [E, 1, D]; r_proj gather [E, D*D] -> [E, D, D]
        rp = jnp.take(r_proj, r_idx // 2, axis=0).reshape(-1, emb_dim, emb_dim)
        return jnp.matmul(nodes, rp).reshape(-1, emb_dim)

    # node_emb.weight[edge_index[:1,:].t()] -> [E, 1, D]
    head_raw = jnp.take(node_emb, edge_index[:1, :].T, axis=0)
    tail_raw = jnp.take(node_emb, edge_index[1:2, :].T, axis=0)
    head = trans_r_project(head_raw)  # [E, D]
    tail = trans_r_project(tail_raw)  # [E, D]
    # MSELoss(head + r_emb, tail)
    loss = jnp.mean((head + r_e - tail) ** 2)
    return loss

if __name__ == "__main__":
    import jax
    _d = setup_inputs()
    print(jax.jit(kernel)(*tuple(_d.values())))

</pallas_src>

<mosaic_0001>
#map = affine_map<(d0, d1) -> (0, 0, 0)>
#map1 = affine_map<(d0, d1) -> (0, 0)>
module attributes {stable_mosaic.version = 14 : i64} {
  func.func @gather_kernel(%arg0: i32, %arg1: i32, %arg2: memref<32x49x128xi32, #tpu.memory_space<hbm>>, %arg3: memref<1015808x32xf32, #tpu.memory_space<hbm>>, %arg4: memref<200704x32xf32, #tpu.memory_space<hbm>>, %arg5: memref<49x128xi32, #tpu.memory_space<vmem>>, %arg6: memref<2x128x32xf32, #tpu.memory_space<vmem>>, %arg7: memref<!tpu.dma_semaphore, #tpu.memory_space<semaphore_mem>>) attributes {dimension_semantics = [#tpu.dimension_semantics<core_parallel>, #tpu.dimension_semantics<subcore_parallel>], iteration_bounds = array<i64: 2, 16>, scalar_prefetch = 0 : i64, scratch_operands = 3 : i64, tpu.core_type = #tpu.core_type<sc_vector_subcore>, window_params = [{transform_indices = #map}, {transform_indices = #map1}, {transform_indices = #map1}]} {
    %mul3A = arith.constant 2 : i32
    %mul3A_0 = arith.muli %arg1, %mul3A : i32
    %add3A = arith.addi %mul3A_0, %arg0 : i32
    "tpu.region"() ({
      %run_scoped3A = tpu.sem_alloc : memref<!tpu.dma_semaphore, #tpu.memory_space<semaphore_mem>>
      %dma_start3A_19 = arith.constant 0 : i32
      %dma_start3A_20 = arith.constant 0 : i32
      %dma_start3A_21 = tpu.memref_slice %arg2[%add3A, %dma_start3A_19, %dma_start3A_20] : memref<32x49x128xi32, #tpu.memory_space<hbm>> -> memref<1x49x128xi32, #tpu.memory_space<hbm>>
      %dma_start3A_22 = tpu.memref_squeeze %dma_start3A_21 : memref<1x49x128xi32, #tpu.memory_space<hbm>> -> memref<49x128xi32, #tpu.memory_space<hbm>>
      %dma_start3A_23 = arith.constant 0 : i32
      %dma_start3A_24 = arith.constant 0 : i32
      %dma_start3A_25 = tpu.memref_slice %arg2[%add3A, %dma_start3A_23, %dma_start3A_24] : memref<32x49x128xi32, #tpu.memory_space<hbm>> -> memref<1x49x128xi32, #tpu.memory_space<hbm>>
      %dma_start3A_26 = tpu.memref_squeeze %dma_start3A_25 : memref<1x49x128xi32, #tpu.memory_space<hbm>> -> memref<49x128xi32, #tpu.memory_space<hbm>>
      tpu.enqueue_dma source(%dma_start3A_26 : memref<49x128xi32, #tpu.memory_space<hbm>>) target(%arg5 : memref<49x128xi32, #tpu.memory_space<vmem>>) target_semaphore(%run_scoped3A : memref<!tpu.dma_semaphore, #tpu.memory_space<semaphore_mem>>)
      %dma_wait3A = arith.constant 0 : i32
      %dma_wait3A_27 = arith.constant 0 : i32
      %dma_wait3A_28 = tpu.memref_slice %arg2[%add3A, %dma_wait3A, %dma_wait3A_27] : memref<32x49x128xi32, #tpu.memory_space<hbm>> -> memref<1x49x128xi32, #tpu.memory_space<hbm>>
      %dma_wait3A_29 = tpu.memref_squeeze %dma_wait3A_28 : memref<1x49x128xi32, #tpu.memory_space<hbm>> -> memref<49x128xi32, #tpu.memory_space<hbm>>
      %dma_wait3A_30 = arith.constant 0 : i32
      %dma_wait3A_31 = arith.constant 0 : i32
      %dma_wait3A_32 = tpu.memref_slice %arg2[%add3A, %dma_wait3A_30, %dma_wait3A_31] : memref<32x49x128xi32, #tpu.memory_space<hbm>> -> memref<1x49x128xi32, #tpu.memory_space<hbm>>
      %dma_wait3A_33 = tpu.memref_squeeze %dma_wait3A_32 : memref<1x49x128xi32, #tpu.memory_space<hbm>> -> memref<49x128xi32, #tpu.memory_space<hbm>>
      tpu.wait_dma2 semaphore(%run_scoped3A : memref<!tpu.dma_semaphore, #tpu.memory_space<semaphore_mem>>) src(%dma_wait3A_33 : memref<49x128xi32, #tpu.memory_space<hbm>>) dst(%arg5 : memref<49x128xi32, #tpu.memory_space<vmem>>)
      tpu.yield
    }) : () -> ()
    %mul3A_1 = arith.constant 6272 : i32
    %mul3A_2 = arith.muli %add3A, %mul3A_1 : i32
    %dma_start3A = arith.constant 0 : i32
    %dma_start3A_3 = arith.constant 0 : i32
    %dma_start3A_4 = arith.constant 0 : i32
    %dma_start3A_5 = arith.constant 0 : i32
    %dma_start3A_6 = tpu.memref_slice %arg6[%dma_start3A_3, %dma_start3A_4, %dma_start3A_5] : memref<2x128x32xf32, #tpu.memory_space<vmem>> -> memref<1x128x32xf32, #tpu.memory_space<vmem>>
    %dma_start3A_7 = tpu.memref_squeeze %dma_start3A_6 : memref<1x128x32xf32, #tpu.memory_space<vmem>> -> memref<128x32xf32, #tpu.memory_space<vmem>>
    %dma_start3A_8 = arith.constant 0 : i32
    %dma_start3A_9 = tpu.memref_slice %arg5[%dma_start3A, %dma_start3A_8] : memref<49x128xi32, #tpu.memory_space<vmem>> -> memref<1x128xi32, #tpu.memory_space<vmem>>
    %dma_start3A_10 = tpu.memref_squeeze %dma_start3A_9 : memref<1x128xi32, #tpu.memory_space<vmem>> -> memref<128xi32, #tpu.memory_space<vmem>>
    %dma_start3A_11 = arith.constant 0 : i32
    %dma_start3A_12 = arith.constant 0 : i32
    %dma_start3A_13 = tpu.memref_slice %arg3[%dma_start3A_11, %dma_start3A_12] : memref<1015808x32xf32, #tpu.memory_space<hbm>> -> memref<1015808x32xf32, #tpu.memory_space<hbm>>
    tpu.enqueue_indirect_dma source(%dma_start3A_13 : memref<1015808x32xf32, #tpu.memory_space<hbm>>) target(%dma_start3A_7 : memref<128x32xf32, #tpu.memory_space<vmem>>) offsets(%dma_start3A_10 : memref<128xi32, #tpu.memory_space<vmem>>) semaphore(%arg7 : memref<!tpu.dma_semaphore, #tpu.memory_space<semaphore_mem>>)
    %scan3A = arith.constant 0 : i32
    %scan3A_14 = arith.constant 0 : i32
    %scan3A_15 = arith.constant 49 : i32
    %scan3A_16 = arith.addi %scan3A_14, %scan3A_15 : i32
    %scan3A_17 = arith.constant 1 : i32
    scf.for %scan3A_19 = %scan3A_14 to %scan3A_16 step %scan3A_17  : i32 {
      %jit3A = arith.constant 2 : i32
      %eq3A = arith.constant 0 : i32
      %eq3A_20 = arith.cmpi eq, %jit3A, %eq3A : i32
      %jit3A_21 = arith.constant 1 : i32
      %select_n3A = arith.select %eq3A_20, %jit3A_21, %jit3A : i32
      %rem3A = arith.remsi %scan3A_19, %select_n3A : i32
      %ne3A = arith.constant 0 : i32
      %ne3A_22 = arith.cmpi ne, %rem3A, %ne3A : i32
      %lt3A = arith.constant 0 : i32
      %lt3A_23 = arith.cmpi slt, %rem3A, %lt3A : i32
      %lt3A_24 = arith.constant 0 : i32
      %lt3A_25 = arith.cmpi slt, %select_n3A, %lt3A_24 : i32
      %ne3A_26 = arith.xori %lt3A_23, %lt3A_25 : i1
      %and3A = arith.andi %ne3A_26, %ne3A_22 : i1
      %add3A_27 = arith.addi %rem3A, %select_n3A : i32
      %select_n3A_28 = arith.select %and3A, %add3A_27, %rem3A : i32
      %dma_wait3A = arith.constant 0 : i32
      %dma_wait3A_29 = arith.constant 0 : i32
      %dma_wait3A_30 = tpu.memref_slice %arg6[%select_n3A_28, %dma_wait3A, %dma_wait3A_29] : memref<2x128x32xf32, #tpu.memory_space<vmem>> -> memref<1x128x32xf32, #tpu.memory_space<vmem>>
      %dma_wait3A_31 = tpu.memref_squeeze %dma_wait3A_30 : memref<1x128x32xf32, #tpu.memory_space<vmem>> -> memref<128x32xf32, #tpu.memory_space<vmem>>
      %dma_wait3A_32 = arith.constant 0 : i32
      %dma_wait3A_33 = tpu.memref_slice %arg5[%scan3A_19, %dma_wait3A_32] : memref<49x128xi32, #tpu.memory_space<vmem>> -> memref<1x128xi32, #tpu.memory_space<vmem>>
      %dma_wait3A_34 = tpu.memref_squeeze %dma_wait3A_33 : memref<1x128xi32, #tpu.memory_space<vmem>> -> memref<128xi32, #tpu.memory_space<vmem>>
      %dma_wait3A_35 = arith.constant 0 : i32
      %dma_wait3A_36 = arith.constant 0 : i32
      %dma_wait3A_37 = tpu.memref_slice %arg3[%dma_wait3A_35, %dma_wait3A_36] : memref<1015808x32xf32, #tpu.memory_space<hbm>> -> memref<1015808x32xf32, #tpu.memory_space<hbm>>
      tpu.wait_indirect_dma semaphore(%arg7 : memref<!tpu.dma_semaphore, #tpu.memory_space<semaphore_mem>>) src(%dma_wait3A_37 : memref<1015808x32xf32, #tpu.memory_space<hbm>>) dst(%dma_wait3A_31 : memref<128x32xf32, #tpu.memory_space<vmem>>)
      %add3A_38 = arith.constant 1 : i32
      %add3A_39 = arith.addi %scan3A_19, %add3A_38 : i32
      %lt3A_40 = arith.constant 49 : i32
      %lt3A_41 = arith.cmpi slt, %add3A_39, %lt3A_40 : i32
      %convert_element_type3A = arith.extui %lt3A_41 : i1 to i32
      %cond3A = arith.constant 0 : i32
      %cond3A_42 = arith.cmpi ne, %convert_element_type3A, %cond3A : i32
      scf.if %cond3A_42 {
        %add3A_46 = arith.constant 1 : i32
        %add3A_47 = arith.addi %scan3A_19, %add3A_46 : i32
        %add3A_48 = arith.constant 1 : i32
        %add3A_49 = arith.addi %scan3A_19, %add3A_48 : i32
        %jit3A_50 = arith.constant 2 : i32
        %eq3A_51 = arith.constant 0 : i32
        %eq3A_52 = arith.cmpi eq, %jit3A_50, %eq3A_51 : i32
        %jit3A_53 = arith.constant 1 : i32
        %select_n3A_54 = arith.select %eq3A_52, %jit3A_53, %jit3A_50 : i32
        %rem3A_55 = arith.remsi %add3A_49, %select_n3A_54 : i32
        %ne3A_56 = arith.constant 0 : i32
        %ne3A_57 = arith.cmpi ne, %rem3A_55, %ne3A_56 : i32
        %lt3A_58 = arith.constant 0 : i32
        %lt3A_59 = arith.cmpi slt, %rem3A_55, %lt3A_58 : i32
        %lt3A_60 = arith.constant 0 : i32
        %lt3A_61 = arith.cmpi slt, %select_n3A_54, %lt3A_60 : i32
        %ne3A_62 = arith.xori %lt3A_59, %lt3A_61 : i1
        %and3A_63 = arith.andi %ne3A_62, %ne3A_57 : i1
        %add3A_64 = arith.addi %rem3A_55, %select_n3A_54 : i32
        %select_n3A_65 = arith.select %and3A_63, %add3A_64, %rem3A_55 : i32
        %dma_start3A_66 = arith.constant 0 : i32
        %dma_start3A_67 = arith.constant 0 : i32
        %dma_start3A_68 = tpu.memref_slice %arg6[%select_n3A_65, %dma_start3A_66, %dma_start3A_67] : memref<2x128x32xf32, #tpu.memory_space<vmem>> -> memref<1x128x32xf32, #tpu.memory_space<vmem>>
        %dma_start3A_69 = tpu.memref_squeeze %dma_start3A_68 : memref<1x128x32xf32, #tpu.memory_space<vmem>> -> memref<128x32xf32, #tpu.memory_space<vmem>>
        %dma_start3A_70 = arith.constant 0 : i32
        %dma_start3A_71 = tpu.memref_slice %arg5[%add3A_47, %dma_start3A_70] : memref<49x128xi32, #tpu.memory_space<vmem>> -> memref<1x128xi32, #tpu.memory_space<vmem>>
        %dma_start3A_72 = tpu.memref_squeeze %dma_start3A_71 : memref<1x128xi32, #tpu.memory_space<vmem>> -> memref<128xi32, #tpu.memory_space<vmem>>
        %dma_start3A_73 = arith.constant 0 : i32
        %dma_start3A_74 = arith.constant 0 : i32
        %dma_start3A_75 = tpu.memref_slice %arg3[%dma_start3A_73, %dma_start3A_74] : memref<1015808x32xf32, #tpu.memory_space<hbm>> -> memref<1015808x32xf32, #tpu.memory_space<hbm>>
        tpu.enqueue_indirect_dma source(%dma_start3A_75 : memref<1015808x32xf32, #tpu.memory_space<hbm>>) target(%dma_start3A_69 : memref<128x32xf32, #tpu.memory_space<vmem>>) offsets(%dma_start3A_72 : memref<128xi32, #tpu.memory_space<vmem>>) semaphore(%arg7 : memref<!tpu.dma_semaphore, #tpu.memory_space<semaphore_mem>>)
      } else {
      }
      %mul3A_43 = arith.constant 128 : i32
      %mul3A_44 = arith.muli %scan3A_19, %mul3A_43 : i32
      %add3A_45 = arith.addi %mul3A_2, %mul3A_44 : i32
      %multiple_of3A = tpu.assume_multiple %add3A_45, 128 : i32
      "tpu.region"() ({
        %run_scoped3A = tpu.sem_alloc : memref<!tpu.dma_semaphore, #tpu.memory_space<semaphore_mem>>
        %dma_start3A_46 = arith.constant 0 : i32
        %dma_start3A_47 = arith.constant 0 : i32
        %dma_start3A_48 = tpu.memref_slice %arg6[%select_n3A_28, %dma_start3A_46, %dma_start3A_47] : memref<2x128x32xf32, #tpu.memory_space<vmem>> -> memref<1x128x32xf32, #tpu.memory_space<vmem>>
        %dma_start3A_49 = tpu.memref_squeeze %dma_start3A_48 : memref<1x128x32xf32, #tpu.memory_space<vmem>> -> memref<128x32xf32, #tpu.memory_space<vmem>>
        %dma_start3A_50 = arith.constant 0 : i32
        %dma_start3A_51 = tpu.memref_slice %arg4[%multiple_of3A, %dma_start3A_50] : memref<200704x32xf32, #tpu.memory_space<hbm>> -> memref<128x32xf32, #tpu.memory_space<hbm>>
        %dma_start3A_52 = arith.constant 0 : i32
        %dma_start3A_53 = tpu.memref_slice %arg4[%multiple_of3A, %dma_start3A_52] : memref<200704x32xf32, #tpu.memory_space<hbm>> -> memref<128x32xf32, #tpu.memory_space<hbm>>
        %dma_start3A_54 = arith.constant 0 : i32
        %dma_start3A_55 = arith.constant 0 : i32
        %dma_start3A_56 = tpu.memref_slice %arg6[%select_n3A_28, %dma_start3A_54, %dma_start3A_55] : memref<2x128x32xf32, #tpu.memory_space<vmem>> -> memref<1x128x32xf32, #tpu.memory_space<vmem>>
        %dma_start3A_57 = tpu.memref_squeeze %dma_start3A_56 : memref<1x128x32xf32, #tpu.memory_space<vmem>> -> memref<128x32xf32, #tpu.memory_space<vmem>>
        tpu.enqueue_dma source(%dma_start3A_57 : memref<128x32xf32, #tpu.memory_space<vmem>>) target(%dma_start3A_53 : memref<128x32xf32, #tpu.memory_space<hbm>>) target_semaphore(%run_scoped3A : memref<!tpu.dma_semaphore, #tpu.memory_space<semaphore_mem>>)
        %dma_wait3A_58 = arith.constant 0 : i32
        %dma_wait3A_59 = arith.constant 0 : i32
        %dma_wait3A_60 = tpu.memref_slice %arg6[%select_n3A_28, %dma_wait3A_58, %dma_wait3A_59] : memref<2x128x32xf32, #tpu.memory_space<vmem>> -> memref<1x128x32xf32, #tpu.memory_space<vmem>>
        %dma_wait3A_61 = tpu.memref_squeeze %dma_wait3A_60 : memref<1x128x32xf32, #tpu.memory_space<vmem>> -> memref<128x32xf32, #tpu.memory_space<vmem>>
        %dma_wait3A_62 = arith.constant 0 : i32
        %dma_wait3A_63 = tpu.memref_slice %arg4[%multiple_of3A, %dma_wait3A_62] : memref<200704x32xf32, #tpu.memory_space<hbm>> -> memref<128x32xf32, #tpu.memory_space<hbm>>
        %dma_wait3A_64 = arith.constant 0 : i32
        %dma_wait3A_65 = tpu.memref_slice %arg4[%multiple_of3A, %dma_wait3A_64] : memref<200704x32xf32, #tpu.memory_space<hbm>> -> memref<128x32xf32, #tpu.memory_space<hbm>>
        %dma_wait3A_66 = arith.constant 0 : i32
        %dma_wait3A_67 = arith.constant 0 : i32
        %dma_wait3A_68 = tpu.memref_slice %arg6[%select_n3A_28, %dma_wait3A_66, %dma_wait3A_67] : memref<2x128x32xf32, #tpu.memory_space<vmem>> -> memref<1x128x32xf32, #tpu.memory_space<vmem>>
        %dma_wait3A_69 = tpu.memref_squeeze %dma_wait3A_68 : memref<1x128x32xf32, #tpu.memory_space<vmem>> -> memref<128x32xf32, #tpu.memory_space<vmem>>
        tpu.wait_dma2 semaphore(%run_scoped3A : memref<!tpu.dma_semaphore, #tpu.memory_space<semaphore_mem>>) src(%dma_wait3A_69 : memref<128x32xf32, #tpu.memory_space<vmem>>) dst(%dma_wait3A_65 : memref<128x32xf32, #tpu.memory_space<hbm>>)
        tpu.yield
      }) : () -> ()
    }
    %scan3A_18 = arith.constant 49 : i32
    return
  }
}

module attributes {stable_mosaic.version = 14 : i64} {
  func.func @_pack_body(%arg0: i32, %arg1: memref<32x16384xf32, #tpu.memory_space<vmem>>, %arg2: memref<4096x128xf32, #tpu.memory_space<vmem>>) attributes {dimension_semantics = [#tpu.dimension_semantics<arbitrary>], iteration_bounds = array<i64: 62>, scalar_prefetch = 0 : i64, scratch_operands = 0 : i64, tpu.core_type = #tpu.core_type<tc>, window_params = [{transform_indices = @transform_0, window_bounds = array<i64: 32, 16384>}, {transform_indices = @transform_1, window_bounds = array<i64: 4096, 128>}]} {
    %get3A = arith.constant 0 : index
    %get3A_0 = arith.constant 0 : index
    %get3A_1 = vector.load %arg1[%get3A, %get3A_0] : memref<32x16384xf32, #tpu.memory_space<vmem>>, vector<32x16384xf32>
    %slice3A = vector.extract_strided_slice %get3A_1 {offsets = [0, 0], sizes = [32, 4096], strides = [1, 1]} : vector<32x16384xf32> to vector<32x4096xf32>
    %transpose3A = tpu.transpose %slice3A, [1, 0] : vector<32x4096xf32> -> vector<4096x32xf32>
    %slice3A_2 = vector.extract_strided_slice %get3A_1 {offsets = [0, 4096], sizes = [32, 4096], strides = [1, 1]} : vector<32x16384xf32> to vector<32x4096xf32>
    %transpose3A_3 = tpu.transpose %slice3A_2, [1, 0] : vector<32x4096xf32> -> vector<4096x32xf32>
    %slice3A_4 = vector.extract_strided_slice %get3A_1 {offsets = [0, 8192], sizes = [32, 4096], strides = [1, 1]} : vector<32x16384xf32> to vector<32x4096xf32>
    %transpose3A_5 = tpu.transpose %slice3A_4, [1, 0] : vector<32x4096xf32> -> vector<4096x32xf32>
    %slice3A_6 = vector.extract_strided_slice %get3A_1 {offsets = [0, 12288], sizes = [32, 4096], strides = [1, 1]} : vector<32x16384xf32> to vector<32x4096xf32>
    %transpose3A_7 = tpu.transpose %slice3A_6, [1, 0] : vector<32x4096xf32> -> vector<4096x32xf32>
    %concatenate3A = tpu.concatenate %transpose3A, %transpose3A_3, %transpose3A_5, %transpose3A_7 in 1 : vector<4096x32xf32>, vector<4096x32xf32>, vector<4096x32xf32>, vector<4096x32xf32> -> vector<4096x128xf32>
    %swap3A = arith.constant 0 : index
    %swap3A_8 = arith.constant 0 : index
    %swap3A_9 = vector.load %arg2[%swap3A, %swap3A_8] : memref<4096x128xf32, #tpu.memory_space<vmem>>, vector<4096x128xf32>
    tpu.vector_store %arg2[%swap3A, %swap3A_8], %concatenate3A {strides = array<i32>} : memref<4096x128xf32, #tpu.memory_space<vmem>>, vector<4096x128xf32>,
    return
  }
  func.func @transform_0(%arg0: i32) -> (i32, i32) {
    %c0_i32 = arith.constant 0 : i32
    %c0_i32_0 = arith.constant 0 : i32
    return %c0_i32, %arg0 : i32, i32
  }
  func.func @transform_1(%arg0: i32) -> (i32, i32) {
    %c0_i32 = arith.constant 0 : i32
    %c0_i32_0 = arith.constant 0 : i32
    return %arg0, %c0_i32 : i32, i32
  }
}

module attributes {stable_mosaic.version = 14 : i64} {
  func.func @_loss_body(%arg0: i32, %arg1: memref<512x4xi32, #tpu.memory_space<vmem>>, %arg2: memref<512x128xf32, #tpu.memory_space<vmem>>, %arg3: memref<512x128xf32, #tpu.memory_space<vmem>>, %arg4: memref<1024x32xf32, #tpu.memory_space<vmem>>, %arg5: memref<64x32xf32, #tpu.memory_space<vmem>>, %arg6: memref<1x1xf32, #tpu.memory_space<vmem>>) attributes {dimension_semantics = [#tpu.dimension_semantics<arbitrary>], iteration_bounds = array<i64: 49>, scalar_prefetch = 0 : i64, scratch_operands = 0 : i64, tpu.core_type = #tpu.core_type<tc>, window_params = [{transform_indices = @transform_0, window_bounds = array<i64: 512, 4>}, {transform_indices = @transform_1, window_bounds = array<i64: 512, 128>}, {transform_indices = @transform_2, window_bounds = array<i64: 512, 128>}, {pipeline_mode = #tpu.pipeline_mode<synchronous>, transform_indices = @transform_3, window_bounds = array<i64: 1024, 32>}, {pipeline_mode = #tpu.pipeline_mode<synchronous>, transform_indices = @transform_4, window_bounds = array<i64: 64, 32>}, {pipeline_mode = #tpu.pipeline_mode<synchronous>, transform_indices = @transform_5, window_bounds = array<i64: 1, 1>}]} {
    %get3A = arith.constant 0 : index
    %get3A_0 = arith.constant 0 : index
    %get3A_1 = vector.load %arg2[%get3A, %get3A_0] : memref<512x128xf32, #tpu.memory_space<vmem>>, vector<512x128xf32>
    %get3A_2 = arith.constant 0 : index
    %get3A_3 = arith.constant 0 : index
    %get3A_4 = vector.load %arg3[%get3A_2, %get3A_3] : memref<512x128xf32, #tpu.memory_space<vmem>>, vector<512x128xf32>
    %sub3A = arith.subf %get3A_1, %get3A_4 : vector<512x128xf32>
    %slice3A = vector.extract_strided_slice %sub3A {offsets = [0, 0], sizes = [512, 32], strides = [1, 1]} : vector<512x128xf32> to vector<512x32xf32>
    %get3A_5 = arith.constant 0 : index
    %get3A_6 = arith.constant 0 : index
    %get3A_7 = vector.load %arg1[%get3A_5, %get3A_6] : memref<512x4xi32, #tpu.memory_space<vmem>>, vector<512x1xi32>
    %mul3A = arith.constant 2048 : i32
    %mul3A_8 = arith.muli %arg0, %mul3A : i32
    %iota3A = tpu.iota {dimensions = array<i32: 0>} : vector<512x1xi32>
    %mul3A_9 = arith.constant 4 : i32
    %mul3A_10 = vector.broadcast %mul3A_9 : i32 to vector<512x1xi32>
    %mul3A_11 = arith.muli %mul3A_10, %iota3A : vector<512x1xi32>
    %add3A = vector.broadcast %mul3A_8 : i32 to vector<512x1xi32>
    %add3A_12 = arith.addi %add3A, %mul3A_11 : vector<512x1xi32>
    %add3A_13 = arith.constant 0 : i32
    %add3A_14 = vector.broadcast %add3A_13 : i32 to vector<512x1xi32>
    %add3A_15 = arith.addi %add3A_12, %add3A_14 : vector<512x1xi32>
    %lt3A = arith.constant 100000 : i32
    %lt3A_16 = vector.broadcast %lt3A : i32 to vector<512x1xi32>
    %lt3A_17 = arith.cmpi slt, %add3A_15, %lt3A_16 : vector<512x1xi32>
    %shift_right_arithmetic3A = arith.constant 1 : i32
    %shift_right_arithmetic3A_18 = vector.broadcast %shift_right_arithmetic3A : i32 to vector<512x1xi32>
    %shift_right_arithmetic3A_19 = arith.shrsi %get3A_7, %shift_right_arithmetic3A_18 : vector<512x1xi32>
    %iota3A_20 = tpu.iota {dimensions = array<i32: 1>} : vector<512x1024xi32>
    %concatenate3A = tpu.concatenate %slice3A, %slice3A, %slice3A, %slice3A, %slice3A, %slice3A, %slice3A, %slice3A, %slice3A, %slice3A, %slice3A, %slice3A, %slice3A, %slice3A, %slice3A, %slice3A, %slice3A, %slice3A, %slice3A, %slice3A, %slice3A, %slice3A, %slice3A, %slice3A, %slice3A, %slice3A, %slice3A, %slice3A, %slice3A, %slice3A, %slice3A, %slice3A in 1 : vector<512x32xf32>, vector<512x32xf32>, vector<512x32xf32>, vector<512x32xf32>, vector<512x32xf32>, vector<512x32xf32>, vector<512x32xf32>, vector<512x32xf32>, vector<512x32xf32>, vector<512x32xf32>, vector<512x32xf32>, vector<512x32xf32>, vector<512x32xf32>, vector<512x32xf32>, vector<512x32xf32>, vector<512x32xf32>, vector<512x32xf32>, vector<512x32xf32>, vector<512x32xf32>, vector<512x32xf32>, vector<512x32xf32>, vector<512x32xf32>, vector<512x32xf32>, vector<512x32xf32>, vector<512x32xf32>, vector<512x32xf32>, vector<512x32xf32>, vector<512x32xf32>, vector<512x32xf32>, vector<512x32xf32>, vector<512x32xf32>, vector<512x32xf32> -> vector<512x1024xf32>
    %shift_right_arithmetic3A_21 = arith.constant 5 : i32
    %shift_right_arithmetic3A_22 = vector.broadcast %shift_right_arithmetic3A_21 : i32 to vector<512x1024xi32>
    %shift_right_arithmetic3A_23 = arith.shrsi %iota3A_20, %shift_right_arithmetic3A_22 : vector<512x1024xi32>
    %eq3A = vector.broadcast %shift_right_arithmetic3A_19 : vector<512x1xi32> to vector<512x1024xi32>
    %eq3A_24 = arith.cmpi eq, %shift_right_arithmetic3A_23, %eq3A : vector<512x1024xi32>
    %and3A = vector.broadcast %lt3A_17 : vector<512x1xi1> to vector<512x1024xi1>
    %and3A_25 = arith.andi %eq3A_24, %and3A : vector<512x1024xi1>
    %jit3A = arith.constant 0.000000e+00 : f32
    %broadcast_in_dim3A = vector.broadcast %jit3A : f32 to vector<512x1024xf32>
    %select_n3A = arith.select %and3A_25, %concatenate3A, %broadcast_in_dim3A : vector<512x1024xi1>, vector<512x1024xf32>
    %get3A_26 = arith.constant 0 : index
    %get3A_27 = arith.constant 0 : index
    %get3A_28 = vector.load %arg4[%get3A_26, %get3A_27] : memref<1024x32xf32, #tpu.memory_space<vmem>>, vector<1024x32xf32>
    %dot_general3A = arith.constant dense<0.000000e+00> : vector<512x32xf32>
    %dot_general3A_29 = tpu.matmul %select_n3A, %get3A_28, %dot_general3A {dimension_numbers = #tpu.dot_dimension_numbers<[1], [0], [0], [1], [0, 0, 1, 1], [], []>, transpose_lhs_hint = false} : vector<512x1024xf32>, vector<1024x32xf32>, vector<512x32xf32> -> vector<512x32xf32>
    %iota3A_30 = tpu.iota {dimensions = array<i32: 1>} : vector<512x64xi32>
    %eq3A_31 = vector.broadcast %get3A_7 : vector<512x1xi32> to vector<512x64xi32>
    %eq3A_32 = arith.cmpi eq, %iota3A_30, %eq3A_31 : vector<512x64xi32>
    %and3A_33 = vector.broadcast %lt3A_17 : vector<512x1xi1> to vector<512x64xi1>
    %and3A_34 = arith.andi %eq3A_32, %and3A_33 : vector<512x64xi1>
    %jit3A_35 = arith.constant 1.000000e+00 : f32
    %jit3A_36 = arith.constant 0.000000e+00 : f32
    %broadcast_in_dim3A_37 = vector.broadcast %jit3A_35 : f32 to vector<512x64xf32>
    %broadcast_in_dim3A_38 = vector.broadcast %jit3A_36 : f32 to vector<512x64xf32>
    %select_n3A_39 = arith.select %and3A_34, %broadcast_in_dim3A_37, %broadcast_in_dim3A_38 : vector<512x64xi1>, vector<512x64xf32>
    %get3A_40 = arith.constant 0 : index
    %get3A_41 = arith.constant 0 : index
    %get3A_42 = vector.load %arg5[%get3A_40, %get3A_41] : memref<64x32xf32, #tpu.memory_space<vmem>>, vector<64x32xf32>
    %dot_general3A_43 = arith.constant dense<0.000000e+00> : vector<512x32xf32>
    %dot_general3A_44 = tpu.matmul %select_n3A_39, %get3A_42, %dot_general3A_43 {dimension_numbers = #tpu.dot_dimension_numbers<[1], [0], [0], [1], [0, 0, 1, 1], [], []>, transpose_lhs_hint = false} : vector<512x64xf32>, vector<64x32xf32>, vector<512x32xf32> -> vector<512x32xf32>
    %add3A_45 = arith.addf %dot_general3A_29, %dot_general3A_44 : vector<512x32xf32>
    %mul3A_46 = arith.mulf %add3A_45, %add3A_45 : vector<512x32xf32>
    %reduce_sum3A = vector.shape_cast %mul3A_46 : vector<512x32xf32> to vector<1x512x32xf32>
    %reduce_sum3A_47 = arith.constant dense<0.000000e+00> : vector<1xf32>
    %reduce_sum3A_48 = vector.multi_reduction <add>, %reduce_sum3A, %reduce_sum3A_47 [1, 2] : vector<1x512x32xf32> to vector<1xf32>
    %reduce_sum3A_49 = vector.shape_cast %reduce_sum3A_48 : vector<1xf32> to vector<1x1x1xf32>
    %reduce_sum3A_50 = vector.extract %reduce_sum3A_49[0, 0, 0] : f32 from vector<1x1x1xf32>
    %add3A_51 = arith.constant 0.000000e+00 : f32
    %add3A_52 = arith.addf %add3A_51, %reduce_sum3A_50 : f32
    %slice3A_53 = vector.extract_strided_slice %sub3A {offsets = [0, 32], sizes = [512, 32], strides = [1, 1]} : vector<512x128xf32> to vector<512x32xf32>
    %get3A_54 = arith.constant 0 : index
    %get3A_55 = arith.constant 1 : index
    %get3A_56 = vector.load %arg1[%get3A_54, %get3A_55] : memref<512x4xi32, #tpu.memory_space<vmem>>, vector<512x1xi32>
    %mul3A_57 = arith.constant 2048 : i32
    %mul3A_58 = arith.muli %arg0, %mul3A_57 : i32
    %iota3A_59 = tpu.iota {dimensions = array<i32: 0>} : vector<512x1xi32>
    %mul3A_60 = arith.constant 4 : i32
    %mul3A_61 = vector.broadcast %mul3A_60 : i32 to vector<512x1xi32>
    %mul3A_62 = arith.muli %mul3A_61, %iota3A_59 : vector<512x1xi32>
    %add3A_63 = vector.broadcast %mul3A_58 : i32 to vector<512x1xi32>
    %add3A_64 = arith.addi %add3A_63, %mul3A_62 : vector<512x1xi32>
    %add3A_65 = arith.constant 1 : i32
    %add3A_66 = vector.broadcast %add3A_65 : i32 to vector<512x1xi32>
    %add3A_67 = arith.addi %add3A_64, %add3A_66 : vector<512x1xi32>
    %lt3A_68 = arith.constant 100000 : i32
    %lt3A_69 = vector.broadcast %lt3A_68 : i32 to vector<512x1xi32>
    %lt3A_70 = arith.cmpi slt, %add3A_67, %lt3A_69 : vector<512x1xi32>
    %shift_right_arithmetic3A_71 = arith.constant 1 : i32
    %shift_right_arithmetic3A_72 = vector.broadcast %shift_right_arithmetic3A_71 : i32 to vector<512x1xi32>
    %shift_right_arithmetic3A_73 = arith.shrsi %get3A_56, %shift_right_arithmetic3A_72 : vector<512x1xi32>
    %iota3A_74 = tpu.iota {dimensions = array<i32: 1>} : vector<512x1024xi32>
    %concatenate3A_75 = tpu.concatenate %slice3A_53, %slice3A_53, %slice3A_53, %slice3A_53, %slice3A_53, %slice3A_53, %slice3A_53, %slice3A_53, %slice3A_53, %slice3A_53, %slice3A_53, %slice3A_53, %slice3A_53, %slice3A_53, %slice3A_53, %slice3A_53, %slice3A_53, %slice3A_53, %slice3A_53, %slice3A_53, %slice3A_53, %slice3A_53, %slice3A_53, %slice3A_53, %slice3A_53, %slice3A_53, %slice3A_53, %slice3A_53, %slice3A_53, %slice3A_53, %slice3A_53, %slice3A_53 in 1 : vector<512x32xf32>, vector<512x32xf32>, vector<512x32xf32>, vector<512x32xf32>, vector<512x32xf32>, vector<512x32xf32>, vector<512x32xf32>, vector<512x32xf32>, vector<512x32xf32>, vector<512x32xf32>, vector<512x32xf32>, vector<512x32xf32>, vector<512x32xf32>, vector<512x32xf32>, vector<512x32xf32>, vector<512x32xf32>, vector<512x32xf32>, vector<512x32xf32>, vector<512x32xf32>, vector<512x32xf32>, vector<512x32xf32>, vector<512x32xf32>, vector<512x32xf32>, vector<512x32xf32>, vector<512x32xf32>, vector<512x32xf32>, vector<512x32xf32>, vector<512x32xf32>, vector<512x32xf32>, vector<512x32xf32>, vector<512x32xf32>, vector<512x32xf32> -> vector<512x1024xf32>
    %shift_right_arithmetic3A_76 = arith.constant 5 : i32
    %shift_right_arithmetic3A_77 = vector.broadcast %shift_right_arithmetic3A_76 : i32 to vector<512x1024xi32>
    %shift_right_arithmetic3A_78 = arith.shrsi %iota3A_74, %shift_right_arithmetic3A_77 : vector<512x1024xi32>
    %eq3A_79 = vector.broadcast %shift_right_arithmetic3A_73 : vector<512x1xi32> to vector<512x1024xi32>
    %eq3A_80 = arith.cmpi eq, %shift_right_arithmetic3A_78, %eq3A_79 : vector<512x1024xi32>
    %and3A_81 = vector.broadcast %lt3A_70 : vector<512x1xi1> to vector<512x1024xi1>
    %and3A_82 = arith.andi %eq3A_80, %and3A_81 : vector<512x1024xi1>
    %jit3A_83 = arith.constant 0.000000e+00 : f32
    %broadcast_in_dim3A_84 = vector.broadcast %jit3A_83 : f32 to vector<512x1024xf32>
    %select_n3A_85 = arith.select %and3A_82, %concatenate3A_75, %broadcast_in_dim3A_84 : vector<512x1024xi1>, vector<512x1024xf32>
    %get3A_86 = arith.constant 0 : index
    %get3A_87 = arith.constant 0 : index
    %get3A_88 = vector.load %arg4[%get3A_86, %get3A_87] : memref<1024x32xf32, #tpu.memory_space<vmem>>, vector<1024x32xf32>
    %dot_general3A_89 = arith.constant dense<0.000000e+00> : vector<512x32xf32>
    %dot_general3A_90 = tpu.matmul %select_n3A_85, %get3A_88, %dot_general3A_89 {dimension_numbers = #tpu.dot_dimension_numbers<[1], [0], [0], [1], [0, 0, 1, 1], [], []>, transpose_lhs_hint = false} : vector<512x1024xf32>, vector<1024x32xf32>, vector<512x32xf32> -> vector<512x32xf32>
    %iota3A_91 = tpu.iota {dimensions = array<i32: 1>} : vector<512x64xi32>
    %eq3A_92 = vector.broadcast %get3A_56 : vector<512x1xi32> to vector<512x64xi32>
    %eq3A_93 = arith.cmpi eq, %iota3A_91, %eq3A_92 : vector<512x64xi32>
    %and3A_94 = vector.broadcast %lt3A_70 : vector<512x1xi1> to vector<512x64xi1>
    %and3A_95 = arith.andi %eq3A_93, %and3A_94 : vector<512x64xi1>
    %jit3A_96 = arith.constant 1.000000e+00 : f32
    %jit3A_97 = arith.constant 0.000000e+00 : f32
    %broadcast_in_dim3A_98 = vector.broadcast %jit3A_96 : f32 to vector<512x64xf32>
    %broadcast_in_dim3A_99 = vector.broadcast %jit3A_97 : f32 to vector<512x64xf32>
    %select_n3A_100 = arith.select %and3A_95, %broadcast_in_dim3A_98, %broadcast_in_dim3A_99 : vector<512x64xi1>, vector<512x64xf32>
    %get3A_101 = arith.constant 0 : index
    %get3A_102 = arith.constant 0 : index
    %get3A_103 = vector.load %arg5[%get3A_101, %get3A_102] : memref<64x32xf32, #tpu.memory_space<vmem>>, vector<64x32xf32>
    %dot_general3A_104 = arith.constant dense<0.000000e+00> : vector<512x32xf32>
    %dot_general3A_105 = tpu.matmul %select_n3A_100, %get3A_103, %dot_general3A_104 {dimension_numbers = #tpu.dot_dimension_numbers<[1], [0], [0], [1], [0, 0, 1, 1], [], []>, transpose_lhs_hint = false} : vector<512x64xf32>, vector<64x32xf32>, vector<512x32xf32> -> vector<512x32xf32>
    %add3A_106 = arith.addf %dot_general3A_90, %dot_general3A_105 : vector<512x32xf32>
    %mul3A_107 = arith.mulf %add3A_106, %add3A_106 : vector<512x32xf32>
    %reduce_sum3A_108 = vector.shape_cast %mul3A_107 : vector<512x32xf32> to vector<1x512x32xf32>
    %reduce_sum3A_109 = arith.constant dense<0.000000e+00> : vector<1xf32>
    %reduce_sum3A_110 = vector.multi_reduction <add>, %reduce_sum3A_108, %reduce_sum3A_109 [1, 2] : vector<1x512x32xf32> to vector<1xf32>
    %reduce_sum3A_111 = vector.shape_cast %reduce_sum3A_110 : vector<1xf32> to vector<1x1x1xf32>
    %reduce_sum3A_112 = vector.extract %reduce_sum3A_111[0, 0, 0] : f32 from vector<1x1x1xf32>
    %add3A_113 = arith.addf %add3A_52, %reduce_sum3A_112 : f32
    %slice3A_114 = vector.extract_strided_slice %sub3A {offsets = [0, 64], sizes = [512, 32], strides = [1, 1]} : vector<512x128xf32> to vector<512x32xf32>
    %get3A_115 = arith.constant 0 : index
    %get3A_116 = arith.constant 2 : index
    %get3A_117 = vector.load %arg1[%get3A_115, %get3A_116] : memref<512x4xi32, #tpu.memory_space<vmem>>, vector<512x1xi32>
    %mul3A_118 = arith.constant 2048 : i32
    %mul3A_119 = arith.muli %arg0, %mul3A_118 : i32
    %iota3A_120 = tpu.iota {dimensions = array<i32: 0>} : vector<512x1xi32>
    %mul3A_121 = arith.constant 4 : i32
    %mul3A_122 = vector.broadcast %mul3A_121 : i32 to vector<512x1xi32>
    %mul3A_123 = arith.muli %mul3A_122, %iota3A_120 : vector<512x1xi32>
    %add3A_124 = vector.broadcast %mul3A_119 : i32 to vector<512x1xi32>
    %add3A_125 = arith.addi %add3A_124, %mul3A_123 : vector<512x1xi32>
    %add3A_126 = arith.constant 2 : i32
    %add3A_127 = vector.broadcast %add3A_126 : i32 to vector<512x1xi32>
    %add3A_128 = arith.addi %add3A_125, %add3A_127 : vector<512x1xi32>
    %lt3A_129 = arith.constant 100000 : i32
    %lt3A_130 = vector.broadcast %lt3A_129 : i32 to vector<512x1xi32>
    %lt3A_131 = arith.cmpi slt, %add3A_128, %lt3A_130 : vector<512x1xi32>
    %shift_right_arithmetic3A_132 = arith.constant 1 : i32
    %shift_right_arithmetic3A_133 = vector.broadcast %shift_right_arithmetic3A_132 : i32 to vector<512x1xi32>
    %shift_right_arithmetic3A_134 = arith.shrsi %get3A_117, %shift_right_arithmetic3A_133 : vector<512x1xi32>
    %iota3A_135 = tpu.iota {dimensions = array<i32: 1>} : vector<512x1024xi32>
    %concatenate3A_136 = tpu.concatenate %slice3A_114, %slice3A_114, %slice3A_114, %slice3A_114, %slice3A_114, %slice3A_114, %slice3A_114, %slice3A_114, %slice3A_114, %slice3A_114, %slice3A_114, %slice3A_114, %slice3A_114, %slice3A_114, %slice3A_114, %slice3A_114, %slice3A_114, %slice3A_114, %slice3A_114, %slice3A_114, %slice3A_114, %slice3A_114, %slice3A_114, %slice3A_114, %slice3A_114, %slice3A_114, %slice3A_114, %slice3A_114, %slice3A_114, %slice3A_114, %slice3A_114, %slice3A_114 in 1 : vector<512x32xf32>, vector<512x32xf32>, vector<512x32xf32>, vector<512x32xf32>, vector<512x32xf32>, vector<512x32xf32>, vector<512x32xf32>, vector<512x32xf32>, vector<512x32xf32>, vector<512x32xf32>, vector<512x32xf32>, vector<512x32xf32>, vector<512x32xf32>, vector<512x32xf32>, vector<512x32xf32>, vector<512x32xf32>, vector<512x32xf32>, vector<512x32xf32>, vector<512x32xf32>, vector<512x32xf32>, vector<512x32xf32>, vector<512x32xf32>, vector<512x32xf32>, vector<512x32xf32>, vector<512x32xf32>, vector<512x32xf32>, vector<512x32xf32>, vector<512x32xf32>, vector<512x32xf32>, vector<512x32xf32>, vector<512x32xf32>, vector<512x32xf32> -> vector<512x1024xf32>
    %shift_right_arithmetic3A_137 = arith.constant 5 : i32
    %shift_right_arithmetic3A_138 = vector.broadcast %shift_right_arithmetic3A_137 : i32 to vector<512x1024xi32>
    %shift_right_arithmetic3A_139 = arith.shrsi %iota3A_135, %shift_right_arithmetic3A_138 : vector<512x1024xi32>
    %eq3A_140 = vector.broadcast %shift_right_arithmetic3A_134 : vector<512x1xi32> to vector<512x1024xi32>
    %eq3A_141 = arith.cmpi eq, %shift_right_arithmetic3A_139, %eq3A_140 : vector<512x1024xi32>
    %and3A_142 = vector.broadcast %lt3A_131 : vector<512x1xi1> to vector<512x1024xi1>
    %and3A_143 = arith.andi %eq3A_141, %and3A_142 : vector<512x1024xi1>
    %jit3A_144 = arith.constant 0.000000e+00 : f32
    %broadcast_in_dim3A_145 = vector.broadcast %jit3A_144 : f32 to vector<512x1024xf32>
    %select_n3A_146 = arith.select %and3A_143, %concatenate3A_136, %broadcast_in_dim3A_145 : vector<512x1024xi1>, vector<512x1024xf32>
    %get3A_147 = arith.constant 0 : index
    %get3A_148 = arith.constant 0 : index
    %get3A_149 = vector.load %arg4[%get3A_147, %get3A_148] : memref<1024x32xf32, #tpu.memory_space<vmem>>, vector<1024x32xf32>
    %dot_general3A_150 = arith.constant dense<0.000000e+00> : vector<512x32xf32>
    %dot_general3A_151 = tpu.matmul %select_n3A_146, %get3A_149, %dot_general3A_150 {dimension_numbers = #tpu.dot_dimension_numbers<[1], [0], [0], [1], [0, 0, 1, 1], [], []>, transpose_lhs_hint = false} : vector<512x1024xf32>, vector<1024x32xf32>, vector<512x32xf32> -> vector<512x32xf32>
    %iota3A_152 = tpu.iota {dimensions = array<i32: 1>} : vector<512x64xi32>
    %eq3A_153 = vector.broadcast %get3A_117 : vector<512x1xi32> to vector<512x64xi32>
    %eq3A_154 = arith.cmpi eq, %iota3A_152, %eq3A_153 : vector<512x64xi32>
    %and3A_155 = vector.broadcast %lt3A_131 : vector<512x1xi1> to vector<512x64xi1>
    %and3A_156 = arith.andi %eq3A_154, %and3A_155 : vector<512x64xi1>
    %jit3A_157 = arith.constant 1.000000e+00 : f32
    %jit3A_158 = arith.constant 0.000000e+00 : f32
    %broadcast_in_dim3A_159 = vector.broadcast %jit3A_157 : f32 to vector<512x64xf32>
    %broadcast_in_dim3A_160 = vector.broadcast %jit3A_158 : f32 to vector<512x64xf32>
    %select_n3A_161 = arith.select %and3A_156, %broadcast_in_dim3A_159, %broadcast_in_dim3A_160 : vector<512x64xi1>, vector<512x64xf32>
    %get3A_162 = arith.constant 0 : index
    %get3A_163 = arith.constant 0 : index
    %get3A_164 = vector.load %arg5[%get3A_162, %get3A_163] : memref<64x32xf32, #tpu.memory_space<vmem>>, vector<64x32xf32>
    %dot_general3A_165 = arith.constant dense<0.000000e+00> : vector<512x32xf32>
    %dot_general3A_166 = tpu.matmul %select_n3A_161, %get3A_164, %dot_general3A_165 {dimension_numbers = #tpu.dot_dimension_numbers<[1], [0], [0], [1], [0, 0, 1, 1], [], []>, transpose_lhs_hint = false} : vector<512x64xf32>, vector<64x32xf32>, vector<512x32xf32> -> vector<512x32xf32>
    %add3A_167 = arith.addf %dot_general3A_151, %dot_general3A_166 : vector<512x32xf32>
    %mul3A_168 = arith.mulf %add3A_167, %add3A_167 : vector<512x32xf32>
    %reduce_sum3A_169 = vector.shape_cast %mul3A_168 : vector<512x32xf32> to vector<1x512x32xf32>
    %reduce_sum3A_170 = arith.constant dense<0.000000e+00> : vector<1xf32>
    %reduce_sum3A_171 = vector.multi_reduction <add>, %reduce_sum3A_169, %reduce_sum3A_170 [1, 2] : vector<1x512x32xf32> to vector<1xf32>
    %reduce_sum3A_172 = vector.shape_cast %reduce_sum3A_171 : vector<1xf32> to vector<1x1x1xf32>
    %reduce_sum3A_173 = vector.extract %reduce_sum3A_172[0, 0, 0] : f32 from vector<1x1x1xf32>
    %add3A_174 = arith.addf %add3A_113, %reduce_sum3A_173 : f32
    %slice3A_175 = vector.extract_strided_slice %sub3A {offsets = [0, 96], sizes = [512, 32], strides = [1, 1]} : vector<512x128xf32> to vector<512x32xf32>
    %get3A_176 = arith.constant 0 : index
    %get3A_177 = arith.constant 3 : index
    %get3A_178 = vector.load %arg1[%get3A_176, %get3A_177] : memref<512x4xi32, #tpu.memory_space<vmem>>, vector<512x1xi32>
    %mul3A_179 = arith.constant 2048 : i32
    %mul3A_180 = arith.muli %arg0, %mul3A_179 : i32
    %iota3A_181 = tpu.iota {dimensions = array<i32: 0>} : vector<512x1xi32>
    %mul3A_182 = arith.constant 4 : i32
    %mul3A_183 = vector.broadcast %mul3A_182 : i32 to vector<512x1xi32>
    %mul3A_184 = arith.muli %mul3A_183, %iota3A_181 : vector<512x1xi32>
    %add3A_185 = vector.broadcast %mul3A_180 : i32 to vector<512x1xi32>
    %add3A_186 = arith.addi %add3A_185, %mul3A_184 : vector<512x1xi32>
    %add3A_187 = arith.constant 3 : i32
    %add3A_188 = vector.broadcast %add3A_187 : i32 to vector<512x1xi32>
    %add3A_189 = arith.addi %add3A_186, %add3A_188 : vector<512x1xi32>
    %lt3A_190 = arith.constant 100000 : i32
    %lt3A_191 = vector.broadcast %lt3A_190 : i32 to vector<512x1xi32>
    %lt3A_192 = arith.cmpi slt, %add3A_189, %lt3A_191 : vector<512x1xi32>
    %shift_right_arithmetic3A_193 = arith.constant 1 : i32
    %shift_right_arithmetic3A_194 = vector.broadcast %shift_right_arithmetic3A_193 : i32 to vector<512x1xi32>
    %shift_right_arithmetic3A_195 = arith.shrsi %get3A_178, %shift_right_arithmetic3A_194 : vector<512x1xi32>
    %iota3A_196 = tpu.iota {dimensions = array<i32: 1>} : vector<512x1024xi32>
    %concatenate3A_197 = tpu.concatenate %slice3A_175, %slice3A_175, %slice3A_175, %slice3A_175, %slice3A_175, %slice3A_175, %slice3A_175, %slice3A_175, %slice3A_175, %slice3A_175, %slice3A_175, %slice3A_175, %slice3A_175, %slice3A_175, %slice3A_175, %slice3A_175, %slice3A_175, %slice3A_175, %slice3A_175, %slice3A_175, %slice3A_175, %slice3A_175, %slice3A_175, %slice3A_175, %slice3A_175, %slice3A_175, %slice3A_175, %slice3A_175, %slice3A_175, %slice3A_175, %slice3A_175, %slice3A_175 in 1 : vector<512x32xf32>, vector<512x32xf32>, vector<512x32xf32>, vector<512x32xf32>, vector<512x32xf32>, vector<512x32xf32>, vector<512x32xf32>, vector<512x32xf32>, vector<512x32xf32>, vector<512x32xf32>, vector<512x32xf32>, vector<512x32xf32>, vector<512x32xf32>, vector<512x32xf32>, vector<512x32xf32>, vector<512x32xf32>, vector<512x32xf32>, vector<512x32xf32>, vector<512x32xf32>, vector<512x32xf32>, vector<512x32xf32>, vector<512x32xf32>, vector<512x32xf32>, vector<512x32xf32>, vector<512x32xf32>, vector<512x32xf32>, vector<512x32xf32>, vector<512x32xf32>, vector<512x32xf32>, vector<512x32xf32>, vector<512x32xf32>, vector<512x32xf32> -> vector<512x1024xf32>
    %shift_right_arithmetic3A_198 = arith.constant 5 : i32
    %shift_right_arithmetic3A_199 = vector.broadcast %shift_right_arithmetic3A_198 : i32 to vector<512x1024xi32>
    %shift_right_arithmetic3A_200 = arith.shrsi %iota3A_196, %shift_right_arithmetic3A_199 : vector<512x1024xi32>
    %eq3A_201 = vector.broadcast %shift_right_arithmetic3A_195 : vector<512x1xi32> to vector<512x1024xi32>
    %eq3A_202 = arith.cmpi eq, %shift_right_arithmetic3A_200, %eq3A_201 : vector<512x1024xi32>
    %and3A_203 = vector.broadcast %lt3A_192 : vector<512x1xi1> to vector<512x1024xi1>
    %and3A_204 = arith.andi %eq3A_202, %and3A_203 : vector<512x1024xi1>
    %jit3A_205 = arith.constant 0.000000e+00 : f32
    %broadcast_in_dim3A_206 = vector.broadcast %jit3A_205 : f32 to vector<512x1024xf32>
    %select_n3A_207 = arith.select %and3A_204, %concatenate3A_197, %broadcast_in_dim3A_206 : vector<512x1024xi1>, vector<512x1024xf32>
    %get3A_208 = arith.constant 0 : index
    %get3A_209 = arith.constant 0 : index
    %get3A_210 = vector.load %arg4[%get3A_208, %get3A_209] : memref<1024x32xf32, #tpu.memory_space<vmem>>, vector<1024x32xf32>
    %dot_general3A_211 = arith.constant dense<0.000000e+00> : vector<512x32xf32>
    %dot_general3A_212 = tpu.matmul %select_n3A_207, %get3A_210, %dot_general3A_211 {dimension_numbers = #tpu.dot_dimension_numbers<[1], [0], [0], [1], [0, 0, 1, 1], [], []>, transpose_lhs_hint = false} : vector<512x1024xf32>, vector<1024x32xf32>, vector<512x32xf32> -> vector<512x32xf32>
    %iota3A_213 = tpu.iota {dimensions = array<i32: 1>} : vector<512x64xi32>
    %eq3A_214 = vector.broadcast %get3A_178 : vector<512x1xi32> to vector<512x64xi32>
    %eq3A_215 = arith.cmpi eq, %iota3A_213, %eq3A_214 : vector<512x64xi32>
    %and3A_216 = vector.broadcast %lt3A_192 : vector<512x1xi1> to vector<512x64xi1>
    %and3A_217 = arith.andi %eq3A_215, %and3A_216 : vector<512x64xi1>
    %jit3A_218 = arith.constant 1.000000e+00 : f32
    %jit3A_219 = arith.constant 0.000000e+00 : f32
    %broadcast_in_dim3A_220 = vector.broadcast %jit3A_218 : f32 to vector<512x64xf32>
    %broadcast_in_dim3A_221 = vector.broadcast %jit3A_219 : f32 to vector<512x64xf32>
    %select_n3A_222 = arith.select %and3A_217, %broadcast_in_dim3A_220, %broadcast_in_dim3A_221 : vector<512x64xi1>, vector<512x64xf32>
    %get3A_223 = arith.constant 0 : index
    %get3A_224 = arith.constant 0 : index
    %get3A_225 = vector.load %arg5[%get3A_223, %get3A_224] : memref<64x32xf32, #tpu.memory_space<vmem>>, vector<64x32xf32>
    %dot_general3A_226 = arith.constant dense<0.000000e+00> : vector<512x32xf32>
    %dot_general3A_227 = tpu.matmul %select_n3A_222, %get3A_225, %dot_general3A_226 {dimension_numbers = #tpu.dot_dimension_numbers<[1], [0], [0], [1], [0, 0, 1, 1], [], []>, transpose_lhs_hint = false} : vector<512x64xf32>, vector<64x32xf32>, vector<512x32xf32> -> vector<512x32xf32>
    %add3A_228 = arith.addf %dot_general3A_212, %dot_general3A_227 : vector<512x32xf32>
    %mul3A_229 = arith.mulf %add3A_228, %add3A_228 : vector<512x32xf32>
    %reduce_sum3A_230 = vector.shape_cast %mul3A_229 : vector<512x32xf32> to vector<1x512x32xf32>
    %reduce_sum3A_231 = arith.constant dense<0.000000e+00> : vector<1xf32>
    %reduce_sum3A_232 = vector.multi_reduction <add>, %reduce_sum3A_230, %reduce_sum3A_231 [1, 2] : vector<1x512x32xf32> to vector<1xf32>
    %reduce_sum3A_233 = vector.shape_cast %reduce_sum3A_232 : vector<1xf32> to vector<1x1x1xf32>
    %reduce_sum3A_234 = vector.extract %reduce_sum3A_233[0, 0, 0] : f32 from vector<1x1x1xf32>
    %add3A_235 = arith.addf %add3A_174, %reduce_sum3A_234 : f32
    %eq3A_236 = arith.constant 0 : i32
    %eq3A_237 = arith.cmpi eq, %arg0, %eq3A_236 : i32
    %convert_element_type3A = arith.extui %eq3A_237 : i1 to i32
    %cond3A = arith.constant 0 : i32
    %cond3A_238 = arith.cmpi ne, %convert_element_type3A, %cond3A : i32
    scf.if %cond3A_238 {
      %broadcast_in_dim3A_250 = arith.constant 0.000000e+00 : f32
      %broadcast_in_dim3A_251 = vector.broadcast %broadcast_in_dim3A_250 : f32 to vector<1x1xf32>
      %swap3A_252 = arith.constant 0 : index
      %swap3A_253 = arith.constant 0 : index
      %swap3A_254 = vector.load %arg6[%swap3A_252, %swap3A_253] : memref<1x1xf32, #tpu.memory_space<vmem>>, vector<1x1xf32>
      tpu.vector_store %arg6[%swap3A_252, %swap3A_253], %broadcast_in_dim3A_251 {strides = array<i32>} : memref<1x1xf32, #tpu.memory_space<vmem>>, vector<1x1xf32>,
    } else {
    }
    %get3A_239 = arith.constant 0 : index
    %get3A_240 = arith.constant 0 : index
    %get3A_241 = vector.load %arg6[%get3A_239, %get3A_240] : memref<1x1xf32, #tpu.memory_space<vmem>>, vector<1x1xf32>
    %reshape3A = vector.broadcast %add3A_235 : f32 to vector<1x1xf32>
    %add3A_242 = arith.addf %get3A_241, %reshape3A : vector<1x1xf32>
    %swap3A = arith.constant 0 : index
    %swap3A_243 = arith.constant 0 : index
    %swap3A_244 = vector.load %arg6[%swap3A, %swap3A_243] : memref<1x1xf32, #tpu.memory_space<vmem>>, vector<1x1xf32>
    tpu.vector_store %arg6[%swap3A, %swap3A_243], %add3A_242 {strides = array<i32>} : memref<1x1xf32, #tpu.memory_space<vmem>>, vector<1x1xf32>,
    %eq3A_245 = arith.constant 48 : i32
    %eq3A_246 = arith.cmpi eq, %arg0, %eq3A_245 : i32
    %convert_element_type3A_247 = arith.extui %eq3A_246 : i1 to i32
    %cond3A_248 = arith.constant 0 : i32
    %cond3A_249 = arith.cmpi ne, %convert_element_type3A_247, %cond3A_248 : i32
    scf.if %cond3A_249 {
      %get3A_250 = arith.constant 0 : index
      %get3A_251 = arith.constant 0 : index
      %get3A_252 = vector.load %arg6[%get3A_250, %get3A_251] : memref<1x1xf32, #tpu.memory_space<vmem>>, vector<1x1xf32>
      %mul3A_253 = arith.constant 3.125000e-07 : f32
      %mul3A_254 = vector.broadcast %mul3A_253 : f32 to vector<1x1xf32>
      %mul3A_255 = arith.mulf %get3A_252, %mul3A_254 : vector<1x1xf32>
      %swap3A_256 = arith.constant 0 : index
      %swap3A_257 = arith.constant 0 : index
      %swap3A_258 = vector.load %arg6[%swap3A_256, %swap3A_257] : memref<1x1xf32, #tpu.memory_space<vmem>>, vector<1x1xf32>
      tpu.vector_store %arg6[%swap3A_256, %swap3A_257], %mul3A_255 {strides = array<i32>} : memref<1x1xf32, #tpu.memory_space<vmem>>, vector<1x1xf32>,
    } else {
    }
    return
  }
  func.func @transform_0(%arg0: i32) -> (i32, i32) {
    %c0_i32 = arith.constant 0 : i32
    %c0_i32_0 = arith.constant 0 : i32
    return %arg0, %c0_i32 : i32, i32
  }
  func.func @transform_1(%arg0: i32) -> (i32, i32) {
    %c0_i32 = arith.constant 0 : i32
    %c0_i32_0 = arith.constant 0 : i32
    return %arg0, %c0_i32 : i32, i32
  }
  func.func @transform_2(%arg0: i32) -> (i32, i32) {
    %add3A = arith.constant 49 : i32
    %add3A_0 = arith.addi %arg0, %add3A : i32
    %c0_i32 = arith.constant 0 : i32
    %c0_i32_1 = arith.constant 0 : i32
    return %add3A_0, %c0_i32 : i32, i32
  }
  func.func @transform_3(%arg0: i32) -> (i32, i32) {
    %c0_i32 = arith.constant 0 : i32
    %c0_i32_0 = arith.constant 0 : i32
    %c0_i32_1 = arith.constant 0 : i32
    return %c0_i32, %c0_i32_0 : i32, i32
  }
  func.func @transform_4(%arg0: i32) -> (i32, i32) {
    %c0_i32 = arith.constant 0 : i32
    %c0_i32_0 = arith.constant 0 : i32
    %c0_i32_1 = arith.constant 0 : i32
    return %c0_i32, %c0_i32_0 : i32, i32
  }
  func.func @transform_5(%arg0: i32) -> (i32, i32) {
    %c0_i32 = arith.constant 0 : i32
    %c0_i32_0 = arith.constant 0 : i32
    %c0_i32_1 = arith.constant 0 : i32
    return %c0_i32, %c0_i32_0 : i32, i32
  }
}

</mosaic_0001>

<sc_bundles>
// kernel: kernel.5.cloned.1.call-start
scs
__scs_entry_jumppad:
0x0: {  	(pc) =	sbr.rel $0x88, $3  }
0x1: {  	(tag) =	ssettag $0x0;
	lr =	simm.s32 $0x1  }
0x2: {  	[smem:$0x3F9C] =	sst lr;
	_ =	strace $0xD0000000  }
0x3: {  	_ = 	snop  }
0x4: {  	_ = 	snop  }
0x5: {  	_ = 	snop  }
0x6: {  	_ = 	snop  }
0x7: {  	_ = 	snop  }
__scs_overlays_trampoline_lowered:
0x8: {  	[smem:$0x3FAB] =	sst s0  }
0x9: {  	[smem:$0x3FAC] =	sst s1  }
0xa: {  	[smem:$0x3FAD] =	sst s2  }
0xb: {  	[smem:$0x3FAE] =	sst s3  }
0xc: {  	[smem:$0x3FAF] =	sst s4  }
0xd: {  	[smem:$0x3FB0] =	sst s5  }
0xe: {  	[smem:$0x3FB1] =	sst s6  }
0xf: {  	[smem:$0x3FB2] =	sst s7  }
0x10: {  	[smem:$0x3FB3] =	sst s8  }
0x11: {  	[smem:$0x3FB4] =	sst s9;
	s0 =	simm.s32 @!p0 $0x0  }
0x12: {  	s1 =	sld [smem:$0x3F9A];
	s0 =	simm.s32 @p0 $0x1  }
0x13: {  	[smem:$0x3FB5] =	sst s0;
	s0 =	simm.s32 @!p1 $0x0  }
0x14: {  	s2 =	sld [smem:$0x3F99];
	s0 =	simm.s32 @p1 $0x1  }
0x15: {  	[smem:$0x3FB6] =	sst s0;
	s0 =	simm.s32 @!p2 $0x0  }
0x16: {  	s3 =	sld [smem:$0x3FDB];
	s0 =	simm.s32 @p2 $0x1  }
0x17: {  	s4 =	simm.s32 $0x1BF5;
	[smem:$0x3FB8] =	sst s0  }
0x18: {  	s0 =	sld [smem:$0x3F9B];
	_ =	swait.ge [sflag:s4], $0x0  }
0x19: {  	s7 =	sld [smem:$0x3F9C]  }
0x1a: {  	s8 =	sadd.s32 $0xFFFFE003, lr  }
0x1b: {  	s9 =	sadd.s32 $0xFFFFFEF7, lr;
	s5 =	simm.s32 $0xFFFFFFFF;
	p2 =	slt.u32 s8, $0xFFFFF086  }
0x1c: {  	p1 =	slt.u32 s9, $0xF7A;
	s5 =	simm.s32 @!p2 $0x0  }
0x1d: {  	s5 =	simm.s32 @p1 $0x1;
	p0 =	seq.s32 s7, s2  }
0x1e: {  	s7 =	smul.u32 @!p0 $0xF7A, s2;
	p2 =	seq.s32 @!p0 s5, $0x0  }
0x1f: {  	s9 =	smul.u32 $0xF7A, s1;
	s8 =	simm.s32 @!p0 $0x1BF5;
	p2 =	por !p2, p0  }
0x20: {  	[sflag:s8] =	ssyncset.s32 @!p0 $0xFFFFF086;
	s6 =	sadd.s32 @!p0 s3, s7;
	s7 =	simm.s32 @!p0 $0x108  }
0x21: {  	s3 =	sadd.s32 s3, s9;
	s6 =	sadd.s32 @!p0 $0x88, s6;
	s7 =	simm.s32 @p2 $0x1082  }
0x22: {  	[simem:s7], [sflag:s8] =	dma.local @!p0 [hbm:s6], $0xF7A  }
0x23: {  	s9 =	sor.u32 $0xD0000000, s2;
	s6 =	simm.s32 $0x108;
	_ =	swait.ge @!p0 [sflag:s8], $0x0  }
0x24: {  	s3 =	sadd.s32 $0x88, s3;
	s6 =	simm.s32 @!p1 $0x1082;
	[sflag:s4] =	ssyncset.s32 $0xFFFFF086  }
0x25: {  	[simem:s6], [sflag:s4] =	dma.local [hbm:s3], $0xF7A  }
0x26: {  	[smem:$0x3F9C] =	sst s1;
	(tag) =	ssettag s2;
	_ =	strace s9  }
0x27: {  	s1 =	sld [smem:$0x3FAC]  }
0x28: {  	s2 =	sld [smem:$0x3FAD]  }
0x29: {  	s4 =	sld [smem:$0x3FAF]  }
0x2a: {  	p0 =	seq.s32 s5, $0x0;
	s5 =	sld [smem:$0x3FB0]  }
0x2b: {  	s6 =	sld [smem:$0x3FB1]  }
0x2c: {  	s7 =	sld [smem:$0x3FB2]  }
0x2d: {  	s3 =	simm.s32 $0x108;
	s8 =	sld [smem:$0x3FB3]  }
0x2e: {  	s3 =	simm.s32 @!p0 $0x1082;
	s9 =	sld [smem:$0x3FB4]  }
0x2f: {  	lr =	sadd.s32 s0, s3;
	s0 =	sld [smem:$0x3FAB]  }
0x30: {  	s3 =	sld [smem:$0x3FAE]  }
0x31: {  	[smem:$0x3FB7] =	sst s10  }
0x32: {  	s10 =	sld [smem:$0x3FB5];
	_ =	sdelay $0x3  }
0x33: {  	p0 =	seq.s32 s10, $0x1;
	s10 =	sld [smem:$0x3FB7];
	_ =	sdelay $0x3  }
0x34: {  	[smem:$0x3FB7] =	sst s10  }
0x35: {  	s10 =	sld [smem:$0x3FB6];
	_ =	sdelay $0x3  }
0x36: {  	p1 =	seq.s32 s10, $0x1;
	s10 =	sld [smem:$0x3FB7];
	_ =	sdelay $0x3  }
0x37: {  	[smem:$0x3FB7] =	sst s10  }
0x38: {  	s10 =	sld [smem:$0x3FB8]  }
0x39: {  	_ = 	snop;
	(pc) =	sbr.ind lr, $3  }
0x3a: {  	_ = 	snop  }
0x3b: {  	_ = 	snop  }
0x3c: {  	p2 =	seq.s32 s10, $0x1;
	s10 =	sld [smem:$0x3FB7]  }
0x3d: {  	_ =	shalt  }
0x3e: {  	_ =	shalt  }
0x3f: {  	_ =	shalt  }
0x40: {  	_ =	shalt  }
0x41: {  	_ =	shalt  }
0x42: {  	_ =	shalt  }
0x43: {  	_ =	shalt  }
0x44: {  	_ =	shalt  }
0x45: {  	_ =	shalt  }
0x46: {  	_ =	shalt  }
0x47: {  	_ =	shalt  }
0x48: {  	_ =	shalt  }
0x49: {  	_ =	shalt  }
0x4a: {  	_ =	shalt  }
0x4b: {  	_ =	shalt  }
0x4c: {  	_ =	shalt  }
0x4d: {  	_ =	shalt  }
0x4e: {  	_ =	shalt  }
0x4f: {  	_ =	shalt  }
0x50: {  	_ =	shalt  }
0x51: {  	_ =	shalt  }
0x52: {  	_ =	shalt  }
0x53: {  	_ =	shalt  }
0x54: {  	_ =	shalt  }
0x55: {  	_ =	shalt  }
0x56: {  	_ =	shalt  }
0x57: {  	_ =	shalt  }
0x58: {  	_ =	shalt  }
0x59: {  	_ =	shalt  }
0x5a: {  	_ =	shalt  }
0x5b: {  	_ =	shalt  }
0x5c: {  	_ =	shalt  }
0x5d: {  	_ =	shalt  }
0x5e: {  	_ =	shalt  }
0x5f: {  	_ =	shalt  }
0x60: {  	_ =	shalt  }
0x61: {  	_ =	shalt  }
0x62: {  	_ =	shalt  }
0x63: {  	_ =	shalt  }
0x64: {  	_ =	shalt  }
0x65: {  	_ =	shalt  }
0x66: {  	_ =	shalt  }
0x67: {  	_ =	shalt  }
0x68: {  	_ =	shalt  }
0x69: {  	_ =	shalt  }
0x6a: {  	_ =	shalt  }
0x6b: {  	_ =	shalt  }
0x6c: {  	_ =	shalt  }
0x6d: {  	_ =	shalt  }
0x6e: {  	_ =	shalt  }
0x6f: {  	_ =	shalt  }
0x70: {  	_ =	shalt  }
0x71: {  	_ =	shalt  }
0x72: {  	_ =	shalt  }
0x73: {  	_ =	shalt  }
0x74: {  	_ =	shalt  }
0x75: {  	_ =	shalt  }
0x76: {  	_ =	shalt  }
0x77: {  	_ =	shalt  }
0x78: {  	_ =	shalt  }
0x79: {  	_ =	shalt  }
0x7a: {  	_ =	shalt  }
0x7b: {  	_ =	shalt  }
0x7c: {  	_ =	shalt  }
0x7d: {  	_ =	shalt  }
0x7e: {  	_ =	shalt  }
0x7f: {  	_ =	shalt  }
0x80: {  	_ =	shalt  }
0x81: {  	_ =	shalt  }
0x82: {  	_ =	shalt  }
0x83: {  	_ =	shalt  }
0x84: {  	_ =	shalt  }
0x85: {  	_ =	shalt  }
0x86: {  	_ =	shalt  }
0x87: {  	_ =	shalt  }
.Lfunc_end0:
.L_simem_size_0:
called_computation_lowered:
.L_overlay_start_0:
0x88: {  	s2 =	sld [smem:$0x3FD9]  }
0x89: {  	s3 =	sld [smem:$0x3FFE];
	_ =	sdelay $0x1  }
0x8a: {  	s1 =	srdreg.scid  }
0x8b: {  	s0 =	sand.u32 $0x1, s1  }
0x8c: {  	s16 =	sshll.u32 s0, $0xA;
	s2 =	sadd.s32 s3, s2  }
0x8d: {  	s2 =	sadd.s32 s2, s16  }
0x8e: {  	[smem:$0x3FC3] =	sst s2  }
0x8f: {  	_ = 	snop  }
0x90: {  	(tm) =	ssettm $0x1  }
0x91: {  	s17 =	sld [smem:$0x3FFB];
	_ =	sdelay $0x3  }
0x92: {  	_ =	strace s17  }
0x93: {  	s2 =	sld [smem:$0x3FFC];
	_ =	sdelay $0x3  }
0x94: {  	_ =	strace s2  }
0x95: {  	s2 =	sld [smem:$0x3FFD];
	_ =	sdelay $0x3  }
0x96: {  	_ =	strace s2  }
0x97: {  	_ =	strace $0x8FFFFFFF  }
0x98: {  	s18 =	sld [smem:$0x3FDB];
	_ =	sdelay $0x1  }
0x99: {  	s19 =	simm.s32 $_scs_section_size  }
0x9a: {  	s4 =	simm.s32 $_size__tile_overlayer_lowered;
	s5 =	simm.s32 $_tile_overlayer_lowered  }
0x9b: {  	s22 =	simm.s32 $0x1BFF;
	s21 =	sshll.u32 s5, $0x1;
	s2 =	sadd.s32 s19, s18  }
0x9c: {  	s6 =	simm.s32 $0x0;
	s20 =	sshll.u32 s4, $0x1;
	s4 =	sadd.s32 s21, s2  }
0x9d: {  	[timem:s6], [sflag:s22] =	dma.local [hbm:s4], s20  }
0x9e: {  	_ =	swait.ge [sflag:s22], s20  }
0x9f: {  	s3 =	ssub.s32 $0x0, s20;
	[sflag:s22] =	ssyncset.done $0x0  }
0xa0: {  	[sflag:s22] =	ssyncadd.s32 s3;
	_ =	sdelay $0x1  }
0xa1: {  	s23 =	simm.s32 $0x1B8B  }
0xa2: {  	_ =	swait.ge [sflag:s23], $0x1  }
0xa3: {  	[sflag:s23] =	ssyncset.done $0x0  }
0xa4: {  	s25 =	simm.s32 $0x1B8E;
	s24 =	sld [smem:$0x3FFE];
	[sflag:s23] =	ssyncadd.s32 $0xFFFFFFFF  }
0xa5: {  	s26 =	simm.s32 $execute0_lowered;
	[smem:$0x3FD2] =	sst s25  }
0xa6: {  	s4 =	sshll.u32 s26, $0x1;
	_ =	strace $0x80000046;
	[dreg:$0x1] =	wrdreg $0xFFFFFFFF  }
0xa7: {  	s28 =	simm.s32 $_size_execute0_lowered;
	s2 =	sadd.s32 s2, s4;
	[dreg:$0x0] =	wrdreg $0x0  }
0xa8: {  	s4 =	sshll.u32 s28, $0x1;
	[dreg:$0x2] =	wrdreg s2  }
0xa9: {  	[dreg:$0x3] =	wrdreg s4  }
0xaa: {  	[dreg:$0x4] =	wrdreg $0xC0  }
0xab: {  	_ =	task [dreg:s6], $0x5FFFF  }
0xac: {  	[dreg:$0x1] =	wrdreg $0xFFFFFFFF  }
0xad: {  	[dreg:$0x0] =	wrdreg $0x60  }
0xae: {  	[dreg:$0x2] =	wrdreg s24  }
0xaf: {  	[dreg:$0x3] =	wrdreg $0x9  }
0xb0: {  	_ =	task.clear_ibuf [dreg:s6], $0x4FFFF;
	_ =	strace $0x90000046  }
0xb1: {  	s29 =	simm.s32 $0x9;
	_ =	strace $0x80000048  }
0xb2: {  	_ =	swait.ge [sflag:s29], $0x1  }
0xb3: {  	[sflag:s29] =	ssyncadd.s32 $0xFFFFFFFF  }
0xb4: {  	_ =	strace $0x90000048  }
0xb5: {  	_ =	sfence  }
0xb6: {  	s30 =	sld [smem:$0x0];
	_ =	sdelay $0x2  }
0xb7: {  	s31 =	sshll.u32 s1, $0xD;
	s1 =	sshrl.u32 s1, $0x2  }
0xb8: {  	s3 =	sand.u32 $0x4000, s31;
	s1 =	sadd.s32 s1, s30  }
0xb9: {  	s0 =	sor.u32 s3, s0;
	s1 =	sshll.u32 s1, $0x11  }
0xba: {  	s0 =	sor.u32 s1, s0  }
0xbb: {  	s0 =	sadd.s32 $0x8F2B, s0  }
0xbc: {  	[sflag:s0] =	ssyncadd.remote.s32 $0x1  }
0xbd: {  	_ =	sfence.sel $0xFFFF  }
0xbe: {  	[dreg:$0x0] =	wrdreg $0xFFFFFFFF;
	(pc) =	sbr.abs _section_cstart, $3  }
0xbf: {  	[dreg:$0x1] =	wrdreg $0xFFFFFFFF  }
0xc0: {  	_ =	task.clear_ibuf [dreg:s6], $0x2FFFF;
	_ =	strace $0x9FFFFFFF  }
0xc1: {  	(tm) =	ssettm $0x7FFFFFFF  }
tec
execute0_lowered:
.L_overlay_start_1:
0x0: {  	(tag) =	ssettag $0x1  }
0x1: {  	s1 =	srdreg.scid;
	s0 =	stileid.u32  }
0x2: {  	s5 =	rddreg [dreg:$0x0];
	s2 =	simm.s32 $0x0;
	s4 =	sand.u32 $0x1, s1  }
0x3: {  	s29 =	sshll.u32 s0, $0x1;
	s1 =	rddreg [dreg:$0x1];
	s9 =	smul.u32 $0x62000, s0  }
0x4: {  	[smem:$0x7FF] =	sst s2;
	s3 =	sor.u32 s4, s29;
	s11 =	smul.u32 $0x31000, s4  }
0x5: {  	s12 =	sadd.s32 $0x3E6200, s5;
	s8 =	ssub.s32 $0x2, s4;
	s6 =	smul.u32 $0x310, s3  }
0x6: {  	_ =	strace $0x80000047;
	s7 =	smul.u32 $0x31000, s3;
	s10 =	sshrl.u32 s8, $0x1  }
0x7: {  	s3 =	sadd.s32 $0x6200, s5;
	s8 =	ssub.s32 s8, s10;
	s31 =	sadd.s32 s11, s9  }
0x8: {  	s9 =	simm.s32 $0x1880;
	s10 =	simm.s32 $0x1;
	s11 =	simm.s32 $0x80  }
0x9: {  	s7 =	sshrl.u32 s7, $0x3;
	s4 =	sadd.s32 s5, s6;
	s5 =	smax.u32 s8, $0x1  }
0xa: {  	s8 =	simm.s32 $0x2;
	s30 =	sadd.s32 s12, s7;
	s7 =	sshrl.u32 s31, $0x3  }
0xb: {  	s6 =	sadd.s32 $0x6000, s30;
	s7 =	sadd.s32 s7, s12;
	s12 =	simm.s32 $0x0  }
.LBB2_1:
0xc: {  	[tilespmem:s2], [sflag:$0x2] =	stream.linear.gather [hbm4b:s4+s2], $0x1880, $0x38;
	[tilespmem:$0x3880] =	vst v63  }
0xd: {  	_ =	swait.ge [sflag:s8], $0x1880  }
0xe: {  	[sflag:s8] =	ssyncset.done $0x0  }
0xf: {  	[sflag:s8] =	ssyncadd.s32 $0xFFFFE780  }
0x10: {  	[tilespmem:s9], [sflag:$0x1] =	stream.indirect.gather [hbm4b:s3+s11], $0x20, s2, s11, $0xb8;
	[tilespmem:$0x3880] =	vst v63  }
0x11: {  	s13 =	simm.s32 $0x1000;
	_ =	swait.ge [sflag:s10], $0x1000  }
0x12: {  	s14 =	simm.s32 $0x0;
	s13 =	sand.u32 $0x1000, s13;
	[sflag:s10] =	ssyncset.done $0x0  }
0x13: {  	s31 =	sand.u32 $0x1000, s14;
	s13 =	sadd.s32 $0x1880, s13;
	[sflag:s10] =	ssyncadd.s32 $0xFFFFF000  }
0x14: {  	[tilespmem:s13], [sflag:$0x1] =	stream.indirect.gather [hbm4b:s3+s11], $0x20, s11, s11, $0xb8;
	[tilespmem:$0x3880] =	vst v63  }
0x15: {  	s15 =	smov.u32 s7;
	s13 =	sadd.s32 $0x1880, s31  }
0x16: {  	[hbm4b:s7+s2] =	stream.linear.scatter [tilespmem:s13], [sflag:$0x2], $0x1000, $0x38;
	[tilespmem:$0x3880] =	vst v63  }
0x17: {  	s14 =	simm.s32 $0x80;
	s13 =	simm.s32 $0x2000;
	_ =	swait.ge [sflag:s8], $0x1000  }
.LBB2_2:
0x18: {  	[sflag:s8] =	ssyncset.done $0x0  }
0x19: {  	s14 =	sadd.s32 $0x80, s14;
	s15 =	sadd.s32 $0x200, s15;
	s16 =	smov.u32 s13  }
0x1a: {  	p0 =	sne.s32 s13, $0x30000;
	s13 =	sadd.s32 $0x1000, s13;
	[sflag:s8] =	ssyncadd.s32 $0xFFFFF000  }
0x1b: {  	_ =	swait.ge [sflag:s10], $0x1000  }
0x1c: {  	s17 =	sand.u32 $0x1000, s16;
	[sflag:s10] =	ssyncset.done $0x0  }
0x1d: {  	s16 =	sadd.s32 $0xFFFFF000, s16;
	s17 =	sadd.s32 $0x1880, s17;
	[sflag:s10] =	ssyncadd.s32 $0xFFFFF000  }
0x1e: {  	[tilespmem:s17], [sflag:$0x1] =	stream.indirect.gather [hbm4b:s3+s11], $0x20, s14, s11, $0xb8;
	[tilespmem:$0x3880] =	vst v63  }
.Ltmp0:
0x1f: {  	_ = 	snop;
	(pc) =	sbr.rel @p0 .LBB2_2-.Ltmp0, $4  }
0x20: {  	s16 =	sand.u32 $0x1000, s16  }
0x21: {  	s16 =	sadd.s32 $0x1880, s16  }
0x22: {  	[hbm4b:s15+s2] =	stream.linear.scatter [tilespmem:s16], [sflag:$0x2], $0x1000, $0x38;
	[tilespmem:$0x3880] =	vst v63  }
0x23: {  	_ =	swait.ge [sflag:s8], $0x1000  }
0x24: {  	[sflag:s8] =	ssyncset.done $0x0  }
0x25: {  	[sflag:s8] =	ssyncadd.s32 $0xFFFFF000  }
0x26: {  	s12 =	sadd.s32 $0x1, s12;
	_ =	swait.ge [sflag:s10], $0x1000  }
0x27: {  	p0 =	sne.s32 s12, s5;
	[sflag:s10] =	ssyncset.done $0x0  }
.Ltmp1:
0x28: {  	[sflag:s10] =	ssyncadd.s32 $0xFFFFF000;
	(pc) =	sbr.rel @p0 .LBB2_1-.Ltmp1, $4  }
0x29: {  	[hbm4b:s6+s2] =	stream.linear.scatter [tilespmem:s9], [sflag:$0x2], $0x1000, $0x38;
	[tilespmem:$0x3880] =	vst v63  }
0x2a: {  	_ =	swait.ge [sflag:s8], $0x1000  }
0x2b: {  	[sflag:s8] =	ssyncset.done $0x0  }
0x2c: {  	[sflag:s8] =	ssyncadd.s32 $0xFFFFF000  }
0x2d: {  	_ =	sfence.sel $0x180000  }
0x2e: {  	[bflag:$0x0] =	sbarrier.arrive $0xFFFF  }
0x2f: {  	p0 =	sne.s32 s0, $0x0;
	_ =	strace $0x90000047  }
0x30: {  	s0 =	sadd.s32 @!p0 $0x100000, s1;
	[bflag:$0x2] =	sbarrier.arrive $0xFFFF  }
0x31: {  	[sflag:s0] =	ssyncadd.tile.s32 @!p0 $0x1;
	_ =	shalt  }
.Lfunc_end2:
_tile_overlayer_lowered:
.L_overlay_start_2:
0x32: {  	(tag) =	ssettag $0x2  }
0x33: {  	s0 =	rddreg [dreg:$0x0];
	s2 =	stileid.u32  }
0x34: {  	s1 =	rddreg [dreg:$0x1];
	p0 =	sne.s32 s2, $0x0  }
0x35: {  	s3 =	rddreg [dreg:$0x2];
	[bflag:$0x3] =	sbarrier.arrive $0xFFFF;
	s2 =	simm.s32 @!p0 $0x1C02  }
0x36: {  	[timem:s3], [sflag:s2] =	dma.local @!p0 [hbm:s0], s1  }
0x37: {  	s0 =	simm.s32 @!p0 $0x2  }
0x38: {  	_ =	swait.ge @!p0 [sflag:s0], s1  }
0x39: {  	s1 =	ssub.s32 @!p0 $0x0, s1;
	[sflag:s0] =	ssyncset.done @!p0 $0x0  }
0x3a: {  	[sflag:s0] =	ssyncadd.s32 @!p0 s1  }
0x3b: {  	[bflag:$0x3] =	sbarrier.arrive $0xFFFF  }
0x3c: {  	_ =	shalt  }

</sc_bundles>
